<compile_context>
chip_gen: v7x
topology: tpu7x:2x2x1
jax: 0.10.2.dev20260603
libtpu: 0.0.44.dev20260713+nightly
codegen_flags: <defaults>
</compile_context>

<pallas_src>
import functools

import jax
import jax.numpy as jnp
from jax import lax
from jax.experimental import pallas as pl
from jax.experimental.pallas import tpu as pltpu
from jax.experimental.pallas import tpu_sc as plsc

IN_F = 65536
OUT_F = 16384
NCON = 64
NC = 2
NS = 16
NW = NC * NS
ROWS_PER_W = OUT_F // NW
ROWS_PER_C = OUT_F // NC
GROUPS = ROWS_PER_W // 16
XSH = IN_F // NS


def _body(x_hbm, conn_hbm, op_hbm, out_hbm, x_sh, x_v, conn_v, op_v,
          out_v, sem_x, sem_conn, sem_op):
    cid = lax.axis_index("c")
    sid = lax.axis_index("s")
    base = (cid * NS + sid) * ROWS_PER_W

    xstage = pltpu.make_async_copy(
        x_hbm.at[pl.ds(sid * XSH, XSH)], x_sh.at[pl.ds(sid * XSH, XSH)],
        sem_x)
    conncopy = pltpu.make_async_copy(
        conn_hbm.at[pl.ds(base * NCON, ROWS_PER_W * NCON)], conn_v, sem_conn)
    opcopy = pltpu.make_async_copy(
        op_hbm.at[pl.ds(base, ROWS_PER_W)], op_v, sem_op)
    xstage.start()
    conncopy.start()
    opcopy.start()
    xstage.wait()
    plsc.subcore_barrier()

    fans = [
        pltpu.make_async_copy(
            x_sh.at[pl.ds(i * (IN_F // 4), IN_F // 4)],
            x_v.at[pl.ds(i * (IN_F // 4), IN_F // 4)], sem_x)
        for i in range(4)
    ]
    for f in fans:
        f.start()
    for f in fans:
        f.wait()
    conncopy.wait()
    opcopy.wait()

    lane = lax.iota(jnp.int32, 16)
    row_off = lane * NCON

    def group(g, carry):
        pos0 = (g * 16) * NCON + row_off

        def quad(q, accs):
            amins, amaxs = accs
            amins = list(amins)
            amaxs = list(amaxs)
            for a in range(4):
                ci = plsc.load_gather(conn_v, [pos0 + (q * 4 + a)])
                v = plsc.load_gather(x_v, [ci])
                amins[a] = jnp.minimum(amins[a], v)
                amaxs[a] = jnp.maximum(amaxs[a], v)
            return tuple(amins), tuple(amaxs)

        inf = jnp.full((16,), jnp.inf, jnp.float32)
        amins, amaxs = lax.fori_loop(
            0, NCON // 4, quad, ((inf,) * 4, (-inf,) * 4), unroll=4)
        mins = jnp.minimum(jnp.minimum(amins[0], amins[1]),
                           jnp.minimum(amins[2], amins[3]))
        maxs = jnp.maximum(jnp.maximum(amaxs[0], amaxs[1]),
                           jnp.maximum(amaxs[2], amaxs[3]))
        opv = op_v[pl.ds(g * 16, 16)]
        out_v[pl.ds(g * 16, 16)] = jnp.where(opv == 0, mins, maxs)
        return carry

    lax.fori_loop(0, GROUPS, group, 0)
    pltpu.sync_copy(out_v, out_hbm.at[pl.ds(base, ROWS_PER_W)])


@jax.jit
def kernel(x, connection_indices, operator_indices):
    conn = connection_indices.reshape(-1).astype(jnp.int32)
    op = operator_indices.astype(jnp.int32)

    mesh = plsc.VectorSubcoreMesh(core_axis_name="c", subcore_axis_name="s")
    call = functools.partial(
        pl.kernel,
        mesh=mesh,
        out_type=jax.ShapeDtypeStruct((OUT_F,), jnp.float32),
        compiler_params=pltpu.CompilerParams(needs_layout_passes=False),
        scratch_types=[
            pltpu.VMEM_SHARED((IN_F,), jnp.float32),
            pltpu.VMEM((IN_F,), jnp.float32),
            pltpu.VMEM((ROWS_PER_W * NCON,), jnp.int32),
            pltpu.VMEM((ROWS_PER_W,), jnp.int32),
            pltpu.VMEM((ROWS_PER_W,), jnp.float32),
            pltpu.SemaphoreType.DMA,
            pltpu.SemaphoreType.DMA,
            pltpu.SemaphoreType.DMA,
        ],
    )(_body)
    return call(x, conn, op)

# --- scband reference (transcript-rebuilt; emitter-appended) ---
"""Pipeline reference for scband-deep-aggregate-layer-11149735100495 (READ-ONLY COPY).

The authoritative reference and input builder live on the scoring server;
editing this copy changes nothing except your own understanding.
"""

import jax, jax.numpy as jnp
import numpy as np

IN_FEATURES = 65536
OUT_FEATURES = 16384
NUM_CONNECTIONS = 64

def setup_inputs(seed: int = 0) -> dict:
    key = jax.random.key(seed)
    x = jax.random.normal(key, (IN_FEATURES,), dtype=jnp.float32)
    rng = np.random.RandomState(0)
    # connection_indices: for each output unit, NUM_CONNECTIONS indices into x
    conn = rng.randint(0, IN_FEATURES, size=(OUT_FEATURES, NUM_CONNECTIONS)).astype(np.int64)
    # operator table indices: 0 -> fuzzy_min, 1 -> fuzzy_max
    op_idx = rng.randint(0, 2, size=(OUT_FEATURES,)).astype(np.int64)
    return {
        "x": x,
        "connection_indices": jnp.asarray(conn),
        "operator_indices": jnp.asarray(op_idx),
    }

def reference(x, connection_indices, operator_indices):
    # gather: x[connection_indices[i]] for each output unit i
    gathered = jnp.take(x, connection_indices, axis=0)  # [OUT_FEATURES, NUM_CONNECTIONS]
    # segment-style reduce per output unit: fuzzy_min = min, fuzzy_max = max
    mins = jnp.min(gathered, axis=1)
    maxs = jnp.max(gathered, axis=1)
    # select operator per output unit per operator_table_indices
    result = jnp.where(operator_indices == 0, mins, maxs)
    return result

if __name__ == "__main__":
    import jax
    _d = setup_inputs()
    print(jax.jit(kernel)(*tuple(_d.values())))

</pallas_src>

<mosaic_0001>
#map = affine_map<(d0, d1) -> (0)>
module attributes {stable_mosaic.version = 14 : i64} {
  func.func @_body(%arg0: i32, %arg1: i32, %arg2: memref<65536xf32, #tpu.memory_space<hbm>>, %arg3: memref<1048576xi32, #tpu.memory_space<hbm>>, %arg4: memref<16384xi32, #tpu.memory_space<hbm>>, %arg5: memref<16384xf32, #tpu.memory_space<hbm>>, %arg6: memref<65536xf32, #tpu.memory_space<vmem_shared>>, %arg7: memref<65536xf32, #tpu.memory_space<vmem>>, %arg8: memref<32768xi32, #tpu.memory_space<vmem>>, %arg9: memref<512xi32, #tpu.memory_space<vmem>>, %arg10: memref<512xf32, #tpu.memory_space<vmem>>, %arg11: memref<!tpu.dma_semaphore, #tpu.memory_space<semaphore_mem>>, %arg12: memref<!tpu.dma_semaphore, #tpu.memory_space<semaphore_mem>>, %arg13: memref<!tpu.dma_semaphore, #tpu.memory_space<semaphore_mem>>) attributes {dimension_semantics = [#tpu.dimension_semantics<core_parallel>, #tpu.dimension_semantics<subcore_parallel>], iteration_bounds = array<i64: 2, 16>, scalar_prefetch = 0 : i64, scratch_operands = 8 : i64, tpu.core_type = #tpu.core_type<sc_vector_subcore>, window_params = [{transform_indices = #map}, {transform_indices = #map}, {transform_indices = #map}, {transform_indices = #map}]} {
    %mul3A = arith.constant 16 : i32
    %mul3A_0 = arith.muli %arg0, %mul3A : i32
    %add3A = arith.addi %mul3A_0, %arg1 : i32
    %mul3A_1 = arith.constant 512 : i32
    %mul3A_2 = arith.muli %add3A, %mul3A_1 : i32
    %mul3A_3 = arith.constant 4096 : i32
    %mul3A_4 = arith.muli %arg1, %mul3A_3 : i32
    %mul3A_5 = arith.constant 4096 : i32
    %mul3A_6 = arith.muli %arg1, %mul3A_5 : i32
    %mul3A_7 = arith.constant 64 : i32
    %mul3A_8 = arith.muli %mul3A_2, %mul3A_7 : i32
    %dma_start3A = tpu.memref_slice %arg6[%mul3A_6] : memref<65536xf32, #tpu.memory_space<vmem_shared>> -> memref<4096xf32, #tpu.memory_space<vmem_shared>>
    %dma_start3A_9 = tpu.memref_slice %arg2[%mul3A_4] : memref<65536xf32, #tpu.memory_space<hbm>> -> memref<4096xf32, #tpu.memory_space<hbm>>
    tpu.enqueue_dma source(%dma_start3A_9 : memref<4096xf32, #tpu.memory_space<hbm>>) target(%dma_start3A : memref<4096xf32, #tpu.memory_space<vmem_shared>>) target_semaphore(%arg11 : memref<!tpu.dma_semaphore, #tpu.memory_space<semaphore_mem>>)
    %dma_start3A_10 = tpu.memref_slice %arg3[%mul3A_8] : memref<1048576xi32, #tpu.memory_space<hbm>> -> memref<32768xi32, #tpu.memory_space<hbm>>
    %dma_start3A_11 = tpu.memref_slice %arg3[%mul3A_8] : memref<1048576xi32, #tpu.memory_space<hbm>> -> memref<32768xi32, #tpu.memory_space<hbm>>
    tpu.enqueue_dma source(%dma_start3A_11 : memref<32768xi32, #tpu.memory_space<hbm>>) target(%arg8 : memref<32768xi32, #tpu.memory_space<vmem>>) target_semaphore(%arg12 : memref<!tpu.dma_semaphore, #tpu.memory_space<semaphore_mem>>)
    %dma_start3A_12 = tpu.memref_slice %arg4[%mul3A_2] : memref<16384xi32, #tpu.memory_space<hbm>> -> memref<512xi32, #tpu.memory_space<hbm>>
    %dma_start3A_13 = tpu.memref_slice %arg4[%mul3A_2] : memref<16384xi32, #tpu.memory_space<hbm>> -> memref<512xi32, #tpu.memory_space<hbm>>
    tpu.enqueue_dma source(%dma_start3A_13 : memref<512xi32, #tpu.memory_space<hbm>>) target(%arg9 : memref<512xi32, #tpu.memory_space<vmem>>) target_semaphore(%arg13 : memref<!tpu.dma_semaphore, #tpu.memory_space<semaphore_mem>>)
    %dma_wait3A = tpu.memref_slice %arg6[%mul3A_6] : memref<65536xf32, #tpu.memory_space<vmem_shared>> -> memref<4096xf32, #tpu.memory_space<vmem_shared>>
    %dma_wait3A_14 = tpu.memref_slice %arg2[%mul3A_4] : memref<65536xf32, #tpu.memory_space<hbm>> -> memref<4096xf32, #tpu.memory_space<hbm>>
    tpu.wait_dma2 semaphore(%arg11 : memref<!tpu.dma_semaphore, #tpu.memory_space<semaphore_mem>>) src(%dma_wait3A_14 : memref<4096xf32, #tpu.memory_space<hbm>>) dst(%dma_wait3A : memref<4096xf32, #tpu.memory_space<vmem_shared>>)
    %barrier3A = arith.constant 0 : index
    tpu.barrier barrier_id(%barrier3A)
    %dma_start3A_15 = arith.constant 0 : i32
    %dma_start3A_16 = tpu.memref_slice %arg7[%dma_start3A_15] : memref<65536xf32, #tpu.memory_space<vmem>> -> memref<16384xf32, #tpu.memory_space<vmem>>
    %dma_start3A_17 = arith.constant 0 : i32
    %dma_start3A_18 = tpu.memref_slice %arg6[%dma_start3A_17] : memref<65536xf32, #tpu.memory_space<vmem_shared>> -> memref<16384xf32, #tpu.memory_space<vmem_shared>>
    %dma_start3A_19 = arith.constant 0 : i32
    %dma_start3A_20 = tpu.memref_slice %arg7[%dma_start3A_19] : memref<65536xf32, #tpu.memory_space<vmem>> -> memref<16384xf32, #tpu.memory_space<vmem>>
    %dma_start3A_21 = arith.constant 0 : i32
    %dma_start3A_22 = tpu.memref_slice %arg6[%dma_start3A_21] : memref<65536xf32, #tpu.memory_space<vmem_shared>> -> memref<16384xf32, #tpu.memory_space<vmem_shared>>
    tpu.enqueue_dma source(%dma_start3A_22 : memref<16384xf32, #tpu.memory_space<vmem_shared>>) target(%dma_start3A_20 : memref<16384xf32, #tpu.memory_space<vmem>>) target_semaphore(%arg11 : memref<!tpu.dma_semaphore, #tpu.memory_space<semaphore_mem>>)
    %dma_start3A_23 = arith.constant 16384 : i32
    %dma_start3A_24 = tpu.memref_slice %arg7[%dma_start3A_23] : memref<65536xf32, #tpu.memory_space<vmem>> -> memref<16384xf32, #tpu.memory_space<vmem>>
    %dma_start3A_25 = arith.constant 16384 : i32
    %dma_start3A_26 = tpu.memref_slice %arg6[%dma_start3A_25] : memref<65536xf32, #tpu.memory_space<vmem_shared>> -> memref<16384xf32, #tpu.memory_space<vmem_shared>>
    %dma_start3A_27 = arith.constant 16384 : i32
    %dma_start3A_28 = tpu.memref_slice %arg7[%dma_start3A_27] : memref<65536xf32, #tpu.memory_space<vmem>> -> memref<16384xf32, #tpu.memory_space<vmem>>
    %dma_start3A_29 = arith.constant 16384 : i32
    %dma_start3A_30 = tpu.memref_slice %arg6[%dma_start3A_29] : memref<65536xf32, #tpu.memory_space<vmem_shared>> -> memref<16384xf32, #tpu.memory_space<vmem_shared>>
    tpu.enqueue_dma source(%dma_start3A_30 : memref<16384xf32, #tpu.memory_space<vmem_shared>>) target(%dma_start3A_28 : memref<16384xf32, #tpu.memory_space<vmem>>) target_semaphore(%arg11 : memref<!tpu.dma_semaphore, #tpu.memory_space<semaphore_mem>>)
    %dma_start3A_31 = arith.constant 32768 : i32
    %dma_start3A_32 = tpu.memref_slice %arg7[%dma_start3A_31] : memref<65536xf32, #tpu.memory_space<vmem>> -> memref<16384xf32, #tpu.memory_space<vmem>>
    %dma_start3A_33 = arith.constant 32768 : i32
    %dma_start3A_34 = tpu.memref_slice %arg6[%dma_start3A_33] : memref<65536xf32, #tpu.memory_space<vmem_shared>> -> memref<16384xf32, #tpu.memory_space<vmem_shared>>
    %dma_start3A_35 = arith.constant 32768 : i32
    %dma_start3A_36 = tpu.memref_slice %arg7[%dma_start3A_35] : memref<65536xf32, #tpu.memory_space<vmem>> -> memref<16384xf32, #tpu.memory_space<vmem>>
    %dma_start3A_37 = arith.constant 32768 : i32
    %dma_start3A_38 = tpu.memref_slice %arg6[%dma_start3A_37] : memref<65536xf32, #tpu.memory_space<vmem_shared>> -> memref<16384xf32, #tpu.memory_space<vmem_shared>>
    tpu.enqueue_dma source(%dma_start3A_38 : memref<16384xf32, #tpu.memory_space<vmem_shared>>) target(%dma_start3A_36 : memref<16384xf32, #tpu.memory_space<vmem>>) target_semaphore(%arg11 : memref<!tpu.dma_semaphore, #tpu.memory_space<semaphore_mem>>)
    %dma_start3A_39 = arith.constant 49152 : i32
    %dma_start3A_40 = tpu.memref_slice %arg7[%dma_start3A_39] : memref<65536xf32, #tpu.memory_space<vmem>> -> memref<16384xf32, #tpu.memory_space<vmem>>
    %dma_start3A_41 = arith.constant 49152 : i32
    %dma_start3A_42 = tpu.memref_slice %arg6[%dma_start3A_41] : memref<65536xf32, #tpu.memory_space<vmem_shared>> -> memref<16384xf32, #tpu.memory_space<vmem_shared>>
    %dma_start3A_43 = arith.constant 49152 : i32
    %dma_start3A_44 = tpu.memref_slice %arg7[%dma_start3A_43] : memref<65536xf32, #tpu.memory_space<vmem>> -> memref<16384xf32, #tpu.memory_space<vmem>>
    %dma_start3A_45 = arith.constant 49152 : i32
    %dma_start3A_46 = tpu.memref_slice %arg6[%dma_start3A_45] : memref<65536xf32, #tpu.memory_space<vmem_shared>> -> memref<16384xf32, #tpu.memory_space<vmem_shared>>
    tpu.enqueue_dma source(%dma_start3A_46 : memref<16384xf32, #tpu.memory_space<vmem_shared>>) target(%dma_start3A_44 : memref<16384xf32, #tpu.memory_space<vmem>>) target_semaphore(%arg11 : memref<!tpu.dma_semaphore, #tpu.memory_space<semaphore_mem>>)
    %dma_wait3A_47 = arith.constant 0 : i32
    %dma_wait3A_48 = tpu.memref_slice %arg7[%dma_wait3A_47] : memref<65536xf32, #tpu.memory_space<vmem>> -> memref<16384xf32, #tpu.memory_space<vmem>>
    %dma_wait3A_49 = arith.constant 0 : i32
    %dma_wait3A_50 = tpu.memref_slice %arg6[%dma_wait3A_49] : memref<65536xf32, #tpu.memory_space<vmem_shared>> -> memref<16384xf32, #tpu.memory_space<vmem_shared>>
    %dma_wait3A_51 = arith.constant 0 : i32
    %dma_wait3A_52 = tpu.memref_slice %arg7[%dma_wait3A_51] : memref<65536xf32, #tpu.memory_space<vmem>> -> memref<16384xf32, #tpu.memory_space<vmem>>
    %dma_wait3A_53 = arith.constant 0 : i32
    %dma_wait3A_54 = tpu.memref_slice %arg6[%dma_wait3A_53] : memref<65536xf32, #tpu.memory_space<vmem_shared>> -> memref<16384xf32, #tpu.memory_space<vmem_shared>>
    tpu.wait_dma2 semaphore(%arg11 : memref<!tpu.dma_semaphore, #tpu.memory_space<semaphore_mem>>) src(%dma_wait3A_54 : memref<16384xf32, #tpu.memory_space<vmem_shared>>) dst(%dma_wait3A_52 : memref<16384xf32, #tpu.memory_space<vmem>>)
    %dma_wait3A_55 = arith.constant 16384 : i32
    %dma_wait3A_56 = tpu.memref_slice %arg7[%dma_wait3A_55] : memref<65536xf32, #tpu.memory_space<vmem>> -> memref<16384xf32, #tpu.memory_space<vmem>>
    %dma_wait3A_57 = arith.constant 16384 : i32
    %dma_wait3A_58 = tpu.memref_slice %arg6[%dma_wait3A_57] : memref<65536xf32, #tpu.memory_space<vmem_shared>> -> memref<16384xf32, #tpu.memory_space<vmem_shared>>
    %dma_wait3A_59 = arith.constant 16384 : i32
    %dma_wait3A_60 = tpu.memref_slice %arg7[%dma_wait3A_59] : memref<65536xf32, #tpu.memory_space<vmem>> -> memref<16384xf32, #tpu.memory_space<vmem>>
    %dma_wait3A_61 = arith.constant 16384 : i32
    %dma_wait3A_62 = tpu.memref_slice %arg6[%dma_wait3A_61] : memref<65536xf32, #tpu.memory_space<vmem_shared>> -> memref<16384xf32, #tpu.memory_space<vmem_shared>>
    tpu.wait_dma2 semaphore(%arg11 : memref<!tpu.dma_semaphore, #tpu.memory_space<semaphore_mem>>) src(%dma_wait3A_62 : memref<16384xf32, #tpu.memory_space<vmem_shared>>) dst(%dma_wait3A_60 : memref<16384xf32, #tpu.memory_space<vmem>>)
    %dma_wait3A_63 = arith.constant 32768 : i32
    %dma_wait3A_64 = tpu.memref_slice %arg7[%dma_wait3A_63] : memref<65536xf32, #tpu.memory_space<vmem>> -> memref<16384xf32, #tpu.memory_space<vmem>>
    %dma_wait3A_65 = arith.constant 32768 : i32
    %dma_wait3A_66 = tpu.memref_slice %arg6[%dma_wait3A_65] : memref<65536xf32, #tpu.memory_space<vmem_shared>> -> memref<16384xf32, #tpu.memory_space<vmem_shared>>
    %dma_wait3A_67 = arith.constant 32768 : i32
    %dma_wait3A_68 = tpu.memref_slice %arg7[%dma_wait3A_67] : memref<65536xf32, #tpu.memory_space<vmem>> -> memref<16384xf32, #tpu.memory_space<vmem>>
    %dma_wait3A_69 = arith.constant 32768 : i32
    %dma_wait3A_70 = tpu.memref_slice %arg6[%dma_wait3A_69] : memref<65536xf32, #tpu.memory_space<vmem_shared>> -> memref<16384xf32, #tpu.memory_space<vmem_shared>>
    tpu.wait_dma2 semaphore(%arg11 : memref<!tpu.dma_semaphore, #tpu.memory_space<semaphore_mem>>) src(%dma_wait3A_70 : memref<16384xf32, #tpu.memory_space<vmem_shared>>) dst(%dma_wait3A_68 : memref<16384xf32, #tpu.memory_space<vmem>>)
    %dma_wait3A_71 = arith.constant 49152 : i32
    %dma_wait3A_72 = tpu.memref_slice %arg7[%dma_wait3A_71] : memref<65536xf32, #tpu.memory_space<vmem>> -> memref<16384xf32, #tpu.memory_space<vmem>>
    %dma_wait3A_73 = arith.constant 49152 : i32
    %dma_wait3A_74 = tpu.memref_slice %arg6[%dma_wait3A_73] : memref<65536xf32, #tpu.memory_space<vmem_shared>> -> memref<16384xf32, #tpu.memory_space<vmem_shared>>
    %dma_wait3A_75 = arith.constant 49152 : i32
    %dma_wait3A_76 = tpu.memref_slice %arg7[%dma_wait3A_75] : memref<65536xf32, #tpu.memory_space<vmem>> -> memref<16384xf32, #tpu.memory_space<vmem>>
    %dma_wait3A_77 = arith.constant 49152 : i32
    %dma_wait3A_78 = tpu.memref_slice %arg6[%dma_wait3A_77] : memref<65536xf32, #tpu.memory_space<vmem_shared>> -> memref<16384xf32, #tpu.memory_space<vmem_shared>>
    tpu.wait_dma2 semaphore(%arg11 : memref<!tpu.dma_semaphore, #tpu.memory_space<semaphore_mem>>) src(%dma_wait3A_78 : memref<16384xf32, #tpu.memory_space<vmem_shared>>) dst(%dma_wait3A_76 : memref<16384xf32, #tpu.memory_space<vmem>>)
    %dma_wait3A_79 = tpu.memref_slice %arg3[%mul3A_8] : memref<1048576xi32, #tpu.memory_space<hbm>> -> memref<32768xi32, #tpu.memory_space<hbm>>
    %dma_wait3A_80 = tpu.memref_slice %arg3[%mul3A_8] : memref<1048576xi32, #tpu.memory_space<hbm>> -> memref<32768xi32, #tpu.memory_space<hbm>>
    tpu.wait_dma2 semaphore(%arg12 : memref<!tpu.dma_semaphore, #tpu.memory_space<semaphore_mem>>) src(%dma_wait3A_80 : memref<32768xi32, #tpu.memory_space<hbm>>) dst(%arg8 : memref<32768xi32, #tpu.memory_space<vmem>>)
    %dma_wait3A_81 = tpu.memref_slice %arg4[%mul3A_2] : memref<16384xi32, #tpu.memory_space<hbm>> -> memref<512xi32, #tpu.memory_space<hbm>>
    %dma_wait3A_82 = tpu.memref_slice %arg4[%mul3A_2] : memref<16384xi32, #tpu.memory_space<hbm>> -> memref<512xi32, #tpu.memory_space<hbm>>
    tpu.wait_dma2 semaphore(%arg13 : memref<!tpu.dma_semaphore, #tpu.memory_space<semaphore_mem>>) src(%dma_wait3A_82 : memref<512xi32, #tpu.memory_space<hbm>>) dst(%arg9 : memref<512xi32, #tpu.memory_space<vmem>>)
    %iota3A = tpu.iota {dimensions = array<i32: 0>} : vector<16xi32>
    %mul3A_83 = arith.constant 64 : i32
    %mul3A_84 = vector.broadcast %mul3A_83 : i32 to vector<16xi32>
    %mul3A_85 = arith.muli %iota3A, %mul3A_84 : vector<16xi32>
    %scan3A = arith.constant 0 : i32
    %scan3A_86 = arith.constant 0 : i32
    %scan3A_87 = arith.constant 32 : i32
    %scan3A_88 = arith.addi %scan3A_86, %scan3A_87 : i32
    %scan3A_89 = arith.constant 1 : i32
    scf.for %scan3A_91 = %scan3A_86 to %scan3A_88 step %scan3A_89  : i32 {
      %mul3A_92 = arith.constant 16 : i32
      %mul3A_93 = arith.muli %scan3A_91, %mul3A_92 : i32
      %mul3A_94 = arith.constant 64 : i32
      %mul3A_95 = arith.muli %mul3A_93, %mul3A_94 : i32
      %add3A_96 = vector.broadcast %mul3A_95 : i32 to vector<16xi32>
      %add3A_97 = arith.addi %add3A_96, %mul3A_85 : vector<16xi32>
      %broadcast_in_dim3A = arith.constant 0x7F800000 : f32
      %broadcast_in_dim3A_98 = vector.broadcast %broadcast_in_dim3A : f32 to vector<16xf32>
      %neg3A = arith.constant 0.000000e+00 : f32
      %neg3A_99 = vector.broadcast %neg3A : f32 to vector<16xf32>
      %neg3A_100 = arith.subf %neg3A_99, %broadcast_in_dim3A_98 : vector<16xf32>
      %scan3A_101 = arith.constant 0 : i32
      %scan3A_102 = arith.constant 16 : i32
      %scan3A_103 = arith.addi %scan3A_101, %scan3A_102 : i32
      %scan3A_104 = arith.constant 4 : i32
      %scan3A_105:8 = scf.for %scan3A_119 = %scan3A_101 to %scan3A_103 step %scan3A_104 iter_args(%scan3A_120 = %broadcast_in_dim3A_98, %scan3A_121 = %broadcast_in_dim3A_98, %scan3A_122 = %broadcast_in_dim3A_98, %scan3A_123 = %broadcast_in_dim3A_98, %scan3A_124 = %neg3A_100, %scan3A_125 = %neg3A_100, %scan3A_126 = %neg3A_100, %scan3A_127 = %neg3A_100) -> (vector<16xf32>, vector<16xf32>, vector<16xf32>, vector<16xf32>, vector<16xf32>, vector<16xf32>, vector<16xf32>, vector<16xf32>)  : i32 {
        %mul3A_128 = arith.constant 4 : i32
        %mul3A_129 = arith.muli %scan3A_119, %mul3A_128 : i32
        %add3A_130 = arith.constant 0 : i32
        %add3A_131 = arith.addi %mul3A_129, %add3A_130 : i32
        %add3A_132 = vector.broadcast %add3A_131 : i32 to vector<16xi32>
        %add3A_133 = arith.addi %add3A_97, %add3A_132 : vector<16xi32>
        %gather3A = tpu.vector_load_idx %arg8[%add3A_133] : memref<32768xi32, #tpu.memory_space<vmem>>[vector<16xi32>], vector<16xi32>,
        %gather3A_134 = tpu.vector_load_idx %arg7[%gather3A] : memref<65536xf32, #tpu.memory_space<vmem>>[vector<16xi32>], vector<16xf32>,
        %min3A_135 = arith.minimumf %scan3A_120, %gather3A_134 : vector<16xf32>
        %max3A_136 = arith.maximumf %scan3A_124, %gather3A_134 : vector<16xf32>
        %mul3A_137 = arith.constant 4 : i32
        %mul3A_138 = arith.muli %scan3A_119, %mul3A_137 : i32
        %add3A_139 = arith.constant 1 : i32
        %add3A_140 = arith.addi %mul3A_138, %add3A_139 : i32
        %add3A_141 = vector.broadcast %add3A_140 : i32 to vector<16xi32>
        %add3A_142 = arith.addi %add3A_97, %add3A_141 : vector<16xi32>
        %gather3A_143 = tpu.vector_load_idx %arg8[%add3A_142] : memref<32768xi32, #tpu.memory_space<vmem>>[vector<16xi32>], vector<16xi32>,
        %gather3A_144 = tpu.vector_load_idx %arg7[%gather3A_143] : memref<65536xf32, #tpu.memory_space<vmem>>[vector<16xi32>], vector<16xf32>,
        %min3A_145 = arith.minimumf %scan3A_121, %gather3A_144 : vector<16xf32>
        %max3A_146 = arith.maximumf %scan3A_125, %gather3A_144 : vector<16xf32>
        %mul3A_147 = arith.constant 4 : i32
        %mul3A_148 = arith.muli %scan3A_119, %mul3A_147 : i32
        %add3A_149 = arith.constant 2 : i32
        %add3A_150 = arith.addi %mul3A_148, %add3A_149 : i32
        %add3A_151 = vector.broadcast %add3A_150 : i32 to vector<16xi32>
        %add3A_152 = arith.addi %add3A_97, %add3A_151 : vector<16xi32>
        %gather3A_153 = tpu.vector_load_idx %arg8[%add3A_152] : memref<32768xi32, #tpu.memory_space<vmem>>[vector<16xi32>], vector<16xi32>,
        %gather3A_154 = tpu.vector_load_idx %arg7[%gather3A_153] : memref<65536xf32, #tpu.memory_space<vmem>>[vector<16xi32>], vector<16xf32>,
        %min3A_155 = arith.minimumf %scan3A_122, %gather3A_154 : vector<16xf32>
        %max3A_156 = arith.maximumf %scan3A_126, %gather3A_154 : vector<16xf32>
        %mul3A_157 = arith.constant 4 : i32
        %mul3A_158 = arith.muli %scan3A_119, %mul3A_157 : i32
        %add3A_159 = arith.constant 3 : i32
        %add3A_160 = arith.addi %mul3A_158, %add3A_159 : i32
        %add3A_161 = vector.broadcast %add3A_160 : i32 to vector<16xi32>
        %add3A_162 = arith.addi %add3A_97, %add3A_161 : vector<16xi32>
        %gather3A_163 = tpu.vector_load_idx %arg8[%add3A_162] : memref<32768xi32, #tpu.memory_space<vmem>>[vector<16xi32>], vector<16xi32>,
        %gather3A_164 = tpu.vector_load_idx %arg7[%gather3A_163] : memref<65536xf32, #tpu.memory_space<vmem>>[vector<16xi32>], vector<16xf32>,
        %min3A_165 = arith.minimumf %scan3A_123, %gather3A_164 : vector<16xf32>
        %max3A_166 = arith.maximumf %scan3A_127, %gather3A_164 : vector<16xf32>
        %scan3A_167 = arith.constant 1 : i32
        %scan3A_168 = arith.addi %scan3A_119, %scan3A_167 : i32
        %mul3A_169 = arith.constant 4 : i32
        %mul3A_170 = arith.muli %scan3A_168, %mul3A_169 : i32
        %add3A_171 = arith.constant 0 : i32
        %add3A_172 = arith.addi %mul3A_170, %add3A_171 : i32
        %add3A_173 = vector.broadcast %add3A_172 : i32 to vector<16xi32>
        %add3A_174 = arith.addi %add3A_97, %add3A_173 : vector<16xi32>
        %gather3A_175 = tpu.vector_load_idx %arg8[%add3A_174] : memref<32768xi32, #tpu.memory_space<vmem>>[vector<16xi32>], vector<16xi32>,
        %gather3A_176 = tpu.vector_load_idx %arg7[%gather3A_175] : memref<65536xf32, #tpu.memory_space<vmem>>[vector<16xi32>], vector<16xf32>,
        %min3A_177 = arith.minimumf %min3A_135, %gather3A_176 : vector<16xf32>
        %max3A_178 = arith.maximumf %max3A_136, %gather3A_176 : vector<16xf32>
        %mul3A_179 = arith.constant 4 : i32
        %mul3A_180 = arith.muli %scan3A_168, %mul3A_179 : i32
        %add3A_181 = arith.constant 1 : i32
        %add3A_182 = arith.addi %mul3A_180, %add3A_181 : i32
        %add3A_183 = vector.broadcast %add3A_182 : i32 to vector<16xi32>
        %add3A_184 = arith.addi %add3A_97, %add3A_183 : vector<16xi32>
        %gather3A_185 = tpu.vector_load_idx %arg8[%add3A_184] : memref<32768xi32, #tpu.memory_space<vmem>>[vector<16xi32>], vector<16xi32>,
        %gather3A_186 = tpu.vector_load_idx %arg7[%gather3A_185] : memref<65536xf32, #tpu.memory_space<vmem>>[vector<16xi32>], vector<16xf32>,
        %min3A_187 = arith.minimumf %min3A_145, %gather3A_186 : vector<16xf32>
        %max3A_188 = arith.maximumf %max3A_146, %gather3A_186 : vector<16xf32>
        %mul3A_189 = arith.constant 4 : i32
        %mul3A_190 = arith.muli %scan3A_168, %mul3A_189 : i32
        %add3A_191 = arith.constant 2 : i32
        %add3A_192 = arith.addi %mul3A_190, %add3A_191 : i32
        %add3A_193 = vector.broadcast %add3A_192 : i32 to vector<16xi32>
        %add3A_194 = arith.addi %add3A_97, %add3A_193 : vector<16xi32>
        %gather3A_195 = tpu.vector_load_idx %arg8[%add3A_194] : memref<32768xi32, #tpu.memory_space<vmem>>[vector<16xi32>], vector<16xi32>,
        %gather3A_196 = tpu.vector_load_idx %arg7[%gather3A_195] : memref<65536xf32, #tpu.memory_space<vmem>>[vector<16xi32>], vector<16xf32>,
        %min3A_197 = arith.minimumf %min3A_155, %gather3A_196 : vector<16xf32>
        %max3A_198 = arith.maximumf %max3A_156, %gather3A_196 : vector<16xf32>
        %mul3A_199 = arith.constant 4 : i32
        %mul3A_200 = arith.muli %scan3A_168, %mul3A_199 : i32
        %add3A_201 = arith.constant 3 : i32
        %add3A_202 = arith.addi %mul3A_200, %add3A_201 : i32
        %add3A_203 = vector.broadcast %add3A_202 : i32 to vector<16xi32>
        %add3A_204 = arith.addi %add3A_97, %add3A_203 : vector<16xi32>
        %gather3A_205 = tpu.vector_load_idx %arg8[%add3A_204] : memref<32768xi32, #tpu.memory_space<vmem>>[vector<16xi32>], vector<16xi32>,
        %gather3A_206 = tpu.vector_load_idx %arg7[%gather3A_205] : memref<65536xf32, #tpu.memory_space<vmem>>[vector<16xi32>], vector<16xf32>,
        %min3A_207 = arith.minimumf %min3A_165, %gather3A_206 : vector<16xf32>
        %max3A_208 = arith.maximumf %max3A_166, %gather3A_206 : vector<16xf32>
        %scan3A_209 = arith.constant 2 : i32
        %scan3A_210 = arith.addi %scan3A_119, %scan3A_209 : i32
        %mul3A_211 = arith.constant 4 : i32
        %mul3A_212 = arith.muli %scan3A_210, %mul3A_211 : i32
        %add3A_213 = arith.constant 0 : i32
        %add3A_214 = arith.addi %mul3A_212, %add3A_213 : i32
        %add3A_215 = vector.broadcast %add3A_214 : i32 to vector<16xi32>
        %add3A_216 = arith.addi %add3A_97, %add3A_215 : vector<16xi32>
        %gather3A_217 = tpu.vector_load_idx %arg8[%add3A_216] : memref<32768xi32, #tpu.memory_space<vmem>>[vector<16xi32>], vector<16xi32>,
        %gather3A_218 = tpu.vector_load_idx %arg7[%gather3A_217] : memref<65536xf32, #tpu.memory_space<vmem>>[vector<16xi32>], vector<16xf32>,
        %min3A_219 = arith.minimumf %min3A_177, %gather3A_218 : vector<16xf32>
        %max3A_220 = arith.maximumf %max3A_178, %gather3A_218 : vector<16xf32>
        %mul3A_221 = arith.constant 4 : i32
        %mul3A_222 = arith.muli %scan3A_210, %mul3A_221 : i32
        %add3A_223 = arith.constant 1 : i32
        %add3A_224 = arith.addi %mul3A_222, %add3A_223 : i32
        %add3A_225 = vector.broadcast %add3A_224 : i32 to vector<16xi32>
        %add3A_226 = arith.addi %add3A_97, %add3A_225 : vector<16xi32>
        %gather3A_227 = tpu.vector_load_idx %arg8[%add3A_226] : memref<32768xi32, #tpu.memory_space<vmem>>[vector<16xi32>], vector<16xi32>,
        %gather3A_228 = tpu.vector_load_idx %arg7[%gather3A_227] : memref<65536xf32, #tpu.memory_space<vmem>>[vector<16xi32>], vector<16xf32>,
        %min3A_229 = arith.minimumf %min3A_187, %gather3A_228 : vector<16xf32>
        %max3A_230 = arith.maximumf %max3A_188, %gather3A_228 : vector<16xf32>
        %mul3A_231 = arith.constant 4 : i32
        %mul3A_232 = arith.muli %scan3A_210, %mul3A_231 : i32
        %add3A_233 = arith.constant 2 : i32
        %add3A_234 = arith.addi %mul3A_232, %add3A_233 : i32
        %add3A_235 = vector.broadcast %add3A_234 : i32 to vector<16xi32>
        %add3A_236 = arith.addi %add3A_97, %add3A_235 : vector<16xi32>
        %gather3A_237 = tpu.vector_load_idx %arg8[%add3A_236] : memref<32768xi32, #tpu.memory_space<vmem>>[vector<16xi32>], vector<16xi32>,
        %gather3A_238 = tpu.vector_load_idx %arg7[%gather3A_237] : memref<65536xf32, #tpu.memory_space<vmem>>[vector<16xi32>], vector<16xf32>,
        %min3A_239 = arith.minimumf %min3A_197, %gather3A_238 : vector<16xf32>
        %max3A_240 = arith.maximumf %max3A_198, %gather3A_238 : vector<16xf32>
        %mul3A_241 = arith.constant 4 : i32
        %mul3A_242 = arith.muli %scan3A_210, %mul3A_241 : i32
        %add3A_243 = arith.constant 3 : i32
        %add3A_244 = arith.addi %mul3A_242, %add3A_243 : i32
        %add3A_245 = vector.broadcast %add3A_244 : i32 to vector<16xi32>
        %add3A_246 = arith.addi %add3A_97, %add3A_245 : vector<16xi32>
        %gather3A_247 = tpu.vector_load_idx %arg8[%add3A_246] : memref<32768xi32, #tpu.memory_space<vmem>>[vector<16xi32>], vector<16xi32>,
        %gather3A_248 = tpu.vector_load_idx %arg7[%gather3A_247] : memref<65536xf32, #tpu.memory_space<vmem>>[vector<16xi32>], vector<16xf32>,
        %min3A_249 = arith.minimumf %min3A_207, %gather3A_248 : vector<16xf32>
        %max3A_250 = arith.maximumf %max3A_208, %gather3A_248 : vector<16xf32>
        %scan3A_251 = arith.constant 3 : i32
        %scan3A_252 = arith.addi %scan3A_119, %scan3A_251 : i32
        %mul3A_253 = arith.constant 4 : i32
        %mul3A_254 = arith.muli %scan3A_252, %mul3A_253 : i32
        %add3A_255 = arith.constant 0 : i32
        %add3A_256 = arith.addi %mul3A_254, %add3A_255 : i32
        %add3A_257 = vector.broadcast %add3A_256 : i32 to vector<16xi32>
        %add3A_258 = arith.addi %add3A_97, %add3A_257 : vector<16xi32>
        %gather3A_259 = tpu.vector_load_idx %arg8[%add3A_258] : memref<32768xi32, #tpu.memory_space<vmem>>[vector<16xi32>], vector<16xi32>,
        %gather3A_260 = tpu.vector_load_idx %arg7[%gather3A_259] : memref<65536xf32, #tpu.memory_space<vmem>>[vector<16xi32>], vector<16xf32>,
        %min3A_261 = arith.minimumf %min3A_219, %gather3A_260 : vector<16xf32>
        %max3A_262 = arith.maximumf %max3A_220, %gather3A_260 : vector<16xf32>
        %mul3A_263 = arith.constant 4 : i32
        %mul3A_264 = arith.muli %scan3A_252, %mul3A_263 : i32
        %add3A_265 = arith.constant 1 : i32
        %add3A_266 = arith.addi %mul3A_264, %add3A_265 : i32
        %add3A_267 = vector.broadcast %add3A_266 : i32 to vector<16xi32>
        %add3A_268 = arith.addi %add3A_97, %add3A_267 : vector<16xi32>
        %gather3A_269 = tpu.vector_load_idx %arg8[%add3A_268] : memref<32768xi32, #tpu.memory_space<vmem>>[vector<16xi32>], vector<16xi32>,
        %gather3A_270 = tpu.vector_load_idx %arg7[%gather3A_269] : memref<65536xf32, #tpu.memory_space<vmem>>[vector<16xi32>], vector<16xf32>,
        %min3A_271 = arith.minimumf %min3A_229, %gather3A_270 : vector<16xf32>
        %max3A_272 = arith.maximumf %max3A_230, %gather3A_270 : vector<16xf32>
        %mul3A_273 = arith.constant 4 : i32
        %mul3A_274 = arith.muli %scan3A_252, %mul3A_273 : i32
        %add3A_275 = arith.constant 2 : i32
        %add3A_276 = arith.addi %mul3A_274, %add3A_275 : i32
        %add3A_277 = vector.broadcast %add3A_276 : i32 to vector<16xi32>
        %add3A_278 = arith.addi %add3A_97, %add3A_277 : vector<16xi32>
        %gather3A_279 = tpu.vector_load_idx %arg8[%add3A_278] : memref<32768xi32, #tpu.memory_space<vmem>>[vector<16xi32>], vector<16xi32>,
        %gather3A_280 = tpu.vector_load_idx %arg7[%gather3A_279] : memref<65536xf32, #tpu.memory_space<vmem>>[vector<16xi32>], vector<16xf32>,
        %min3A_281 = arith.minimumf %min3A_239, %gather3A_280 : vector<16xf32>
        %max3A_282 = arith.maximumf %max3A_240, %gather3A_280 : vector<16xf32>
        %mul3A_283 = arith.constant 4 : i32
        %mul3A_284 = arith.muli %scan3A_252, %mul3A_283 : i32
        %add3A_285 = arith.constant 3 : i32
        %add3A_286 = arith.addi %mul3A_284, %add3A_285 : i32
        %add3A_287 = vector.broadcast %add3A_286 : i32 to vector<16xi32>
        %add3A_288 = arith.addi %add3A_97, %add3A_287 : vector<16xi32>
        %gather3A_289 = tpu.vector_load_idx %arg8[%add3A_288] : memref<32768xi32, #tpu.memory_space<vmem>>[vector<16xi32>], vector<16xi32>,
        %gather3A_290 = tpu.vector_load_idx %arg7[%gather3A_289] : memref<65536xf32, #tpu.memory_space<vmem>>[vector<16xi32>], vector<16xf32>,
        %min3A_291 = arith.minimumf %min3A_249, %gather3A_290 : vector<16xf32>
        %max3A_292 = arith.maximumf %max3A_250, %gather3A_290 : vector<16xf32>
        scf.yield %min3A_261, %min3A_271, %min3A_281, %min3A_291, %max3A_262, %max3A_272, %max3A_282, %max3A_292 : vector<16xf32>, vector<16xf32>, vector<16xf32>, vector<16xf32>, vector<16xf32>, vector<16xf32>, vector<16xf32>, vector<16xf32>
      }
      %scan3A_106 = arith.constant 16 : i32
      %min3A = arith.minimumf %scan3A_105#0, %scan3A_105#1 : vector<16xf32>
      %min3A_107 = arith.minimumf %scan3A_105#2, %scan3A_105#3 : vector<16xf32>
      %min3A_108 = arith.minimumf %min3A, %min3A_107 : vector<16xf32>
      %max3A = arith.maximumf %scan3A_105#4, %scan3A_105#5 : vector<16xf32>
      %max3A_109 = arith.maximumf %scan3A_105#6, %scan3A_105#7 : vector<16xf32>
      %max3A_110 = arith.maximumf %max3A, %max3A_109 : vector<16xf32>
      %mul3A_111 = arith.constant 16 : i32
      %mul3A_112 = arith.muli %scan3A_91, %mul3A_111 : i32
      %get3A = arith.index_cast %mul3A_112 : i32 to index
      %get3A_113 = tpu.vector_load %arg9[%get3A] {strides = array<i32>} : memref<512xi32, #tpu.memory_space<vmem>>, vector<16xi32>,
      %eq3A = arith.constant 0 : i32
      %eq3A_114 = vector.broadcast %eq3A : i32 to vector<16xi32>
      %eq3A_115 = arith.cmpi eq, %get3A_113, %eq3A_114 : vector<16xi32>
      %select_n3A = arith.select %eq3A_115, %min3A_108, %max3A_110 : vector<16xi1>, vector<16xf32>
      %mul3A_116 = arith.constant 16 : i32
      %mul3A_117 = arith.muli %scan3A_91, %mul3A_116 : i32
      %swap3A = arith.index_cast %mul3A_117 : i32 to index
      %swap3A_118 = tpu.vector_load %arg10[%swap3A] {strides = array<i32>} : memref<512xf32, #tpu.memory_space<vmem>>, vector<16xf32>,
      tpu.vector_store %arg10[%swap3A], %select_n3A {strides = array<i32>} : memref<512xf32, #tpu.memory_space<vmem>>, vector<16xf32>,
    }
    %scan3A_90 = arith.constant 32 : i32
    "tpu.region"() ({
      %run_scoped3A = tpu.sem_alloc : memref<!tpu.dma_semaphore, #tpu.memory_space<semaphore_mem>>
      %dma_start3A_91 = tpu.memref_slice %arg5[%mul3A_2] : memref<16384xf32, #tpu.memory_space<hbm>> -> memref<512xf32, #tpu.memory_space<hbm>>
      %dma_start3A_92 = tpu.memref_slice %arg5[%mul3A_2] : memref<16384xf32, #tpu.memory_space<hbm>> -> memref<512xf32, #tpu.memory_space<hbm>>
      tpu.enqueue_dma source(%arg10 : memref<512xf32, #tpu.memory_space<vmem>>) target(%dma_start3A_92 : memref<512xf32, #tpu.memory_space<hbm>>) target_semaphore(%run_scoped3A : memref<!tpu.dma_semaphore, #tpu.memory_space<semaphore_mem>>)
      %dma_wait3A_93 = tpu.memref_slice %arg5[%mul3A_2] : memref<16384xf32, #tpu.memory_space<hbm>> -> memref<512xf32, #tpu.memory_space<hbm>>
      %dma_wait3A_94 = tpu.memref_slice %arg5[%mul3A_2] : memref<16384xf32, #tpu.memory_space<hbm>> -> memref<512xf32, #tpu.memory_space<hbm>>
      tpu.wait_dma2 semaphore(%run_scoped3A : memref<!tpu.dma_semaphore, #tpu.memory_space<semaphore_mem>>) src(%arg10 : memref<512xf32, #tpu.memory_space<vmem>>) dst(%dma_wait3A_94 : memref<512xf32, #tpu.memory_space<hbm>>)
      tpu.yield
    }) : () -> ()
    return
  }
}

</mosaic_0001>

<sc_bundles>
// kernel: kernel.3.cloned.1.call-start
scs
__scs_entry_jumppad:
0x0: {  	(pc) =	sbr.rel $0x88, $3  }
0x1: {  	(tag) =	ssettag $0x0;
	lr =	simm.s32 $0x1  }
0x2: {  	[smem:$0x3F9E] =	sst lr;
	_ =	strace $0xD0000000  }
0x3: {  	_ = 	snop  }
0x4: {  	_ = 	snop  }
0x5: {  	_ = 	snop  }
0x6: {  	_ = 	snop  }
0x7: {  	_ = 	snop  }
__scs_overlays_trampoline_lowered:
0x8: {  	[smem:$0x3FAD] =	sst s0  }
0x9: {  	[smem:$0x3FAE] =	sst s1  }
0xa: {  	[smem:$0x3FAF] =	sst s2  }
0xb: {  	[smem:$0x3FB0] =	sst s3  }
0xc: {  	[smem:$0x3FB1] =	sst s4  }
0xd: {  	[smem:$0x3FB2] =	sst s5  }
0xe: {  	[smem:$0x3FB3] =	sst s6  }
0xf: {  	[smem:$0x3FB4] =	sst s7  }
0x10: {  	[smem:$0x3FB5] =	sst s8  }
0x11: {  	[smem:$0x3FB6] =	sst s9;
	s0 =	simm.s32 @!p0 $0x0  }
0x12: {  	s1 =	sld [smem:$0x3F9C];
	s0 =	simm.s32 @p0 $0x1  }
0x13: {  	[smem:$0x3FB7] =	sst s0;
	s0 =	simm.s32 @!p1 $0x0  }
0x14: {  	s2 =	sld [smem:$0x3F9B];
	s0 =	simm.s32 @p1 $0x1  }
0x15: {  	[smem:$0x3FB8] =	sst s0;
	s0 =	simm.s32 @!p2 $0x0  }
0x16: {  	s3 =	sld [smem:$0x3FDB];
	s0 =	simm.s32 @p2 $0x1  }
0x17: {  	s4 =	simm.s32 $0x1BF5;
	[smem:$0x3FBA] =	sst s0  }
0x18: {  	s0 =	sld [smem:$0x3F9D];
	_ =	swait.ge [sflag:s4], $0x0  }
0x19: {  	s7 =	sld [smem:$0x3F9E]  }
0x1a: {  	s8 =	sadd.s32 $0xFFFFE003, lr  }
0x1b: {  	s9 =	sadd.s32 $0xFFFFFEF7, lr;
	s5 =	simm.s32 $0xFFFFFFFF;
	p2 =	slt.u32 s8, $0xFFFFF086  }
0x1c: {  	p1 =	slt.u32 s9, $0xF7A;
	s5 =	simm.s32 @!p2 $0x0  }
0x1d: {  	s5 =	simm.s32 @p1 $0x1;
	p0 =	seq.s32 s7, s2  }
0x1e: {  	s7 =	smul.u32 @!p0 $0xF7A, s2;
	p2 =	seq.s32 @!p0 s5, $0x0  }
0x1f: {  	s9 =	smul.u32 $0xF7A, s1;
	s8 =	simm.s32 @!p0 $0x1BF5;
	p2 =	por !p2, p0  }
0x20: {  	[sflag:s8] =	ssyncset.s32 @!p0 $0xFFFFF086;
	s6 =	sadd.s32 @!p0 s3, s7;
	s7 =	simm.s32 @!p0 $0x108  }
0x21: {  	s3 =	sadd.s32 s3, s9;
	s6 =	sadd.s32 @!p0 $0x88, s6;
	s7 =	simm.s32 @p2 $0x1082  }
0x22: {  	[simem:s7], [sflag:s8] =	dma.local @!p0 [hbm:s6], $0xF7A  }
0x23: {  	s9 =	sor.u32 $0xD0000000, s2;
	s6 =	simm.s32 $0x108;
	_ =	swait.ge @!p0 [sflag:s8], $0x0  }
0x24: {  	s3 =	sadd.s32 $0x88, s3;
	s6 =	simm.s32 @!p1 $0x1082;
	[sflag:s4] =	ssyncset.s32 $0xFFFFF086  }
0x25: {  	[simem:s6], [sflag:s4] =	dma.local [hbm:s3], $0xF7A  }
0x26: {  	[smem:$0x3F9E] =	sst s1;
	(tag) =	ssettag s2;
	_ =	strace s9  }
0x27: {  	s1 =	sld [smem:$0x3FAE]  }
0x28: {  	s2 =	sld [smem:$0x3FAF]  }
0x29: {  	s4 =	sld [smem:$0x3FB1]  }
0x2a: {  	p0 =	seq.s32 s5, $0x0;
	s5 =	sld [smem:$0x3FB2]  }
0x2b: {  	s6 =	sld [smem:$0x3FB3]  }
0x2c: {  	s7 =	sld [smem:$0x3FB4]  }
0x2d: {  	s3 =	simm.s32 $0x108;
	s8 =	sld [smem:$0x3FB5]  }
0x2e: {  	s3 =	simm.s32 @!p0 $0x1082;
	s9 =	sld [smem:$0x3FB6]  }
0x2f: {  	lr =	sadd.s32 s0, s3;
	s0 =	sld [smem:$0x3FAD]  }
0x30: {  	s3 =	sld [smem:$0x3FB0]  }
0x31: {  	[smem:$0x3FB9] =	sst s10  }
0x32: {  	s10 =	sld [smem:$0x3FB7];
	_ =	sdelay $0x3  }
0x33: {  	p0 =	seq.s32 s10, $0x1;
	s10 =	sld [smem:$0x3FB9];
	_ =	sdelay $0x3  }
0x34: {  	[smem:$0x3FB9] =	sst s10  }
0x35: {  	s10 =	sld [smem:$0x3FB8];
	_ =	sdelay $0x3  }
0x36: {  	p1 =	seq.s32 s10, $0x1;
	s10 =	sld [smem:$0x3FB9];
	_ =	sdelay $0x3  }
0x37: {  	[smem:$0x3FB9] =	sst s10  }
0x38: {  	s10 =	sld [smem:$0x3FBA]  }
0x39: {  	_ = 	snop;
	(pc) =	sbr.ind lr, $3  }
0x3a: {  	_ = 	snop  }
0x3b: {  	_ = 	snop  }
0x3c: {  	p2 =	seq.s32 s10, $0x1;
	s10 =	sld [smem:$0x3FB9]  }
0x3d: {  	_ =	shalt  }
0x3e: {  	_ =	shalt  }
0x3f: {  	_ =	shalt  }
0x40: {  	_ =	shalt  }
0x41: {  	_ =	shalt  }
0x42: {  	_ =	shalt  }
0x43: {  	_ =	shalt  }
0x44: {  	_ =	shalt  }
0x45: {  	_ =	shalt  }
0x46: {  	_ =	shalt  }
0x47: {  	_ =	shalt  }
0x48: {  	_ =	shalt  }
0x49: {  	_ =	shalt  }
0x4a: {  	_ =	shalt  }
0x4b: {  	_ =	shalt  }
0x4c: {  	_ =	shalt  }
0x4d: {  	_ =	shalt  }
0x4e: {  	_ =	shalt  }
0x4f: {  	_ =	shalt  }
0x50: {  	_ =	shalt  }
0x51: {  	_ =	shalt  }
0x52: {  	_ =	shalt  }
0x53: {  	_ =	shalt  }
0x54: {  	_ =	shalt  }
0x55: {  	_ =	shalt  }
0x56: {  	_ =	shalt  }
0x57: {  	_ =	shalt  }
0x58: {  	_ =	shalt  }
0x59: {  	_ =	shalt  }
0x5a: {  	_ =	shalt  }
0x5b: {  	_ =	shalt  }
0x5c: {  	_ =	shalt  }
0x5d: {  	_ =	shalt  }
0x5e: {  	_ =	shalt  }
0x5f: {  	_ =	shalt  }
0x60: {  	_ =	shalt  }
0x61: {  	_ =	shalt  }
0x62: {  	_ =	shalt  }
0x63: {  	_ =	shalt  }
0x64: {  	_ =	shalt  }
0x65: {  	_ =	shalt  }
0x66: {  	_ =	shalt  }
0x67: {  	_ =	shalt  }
0x68: {  	_ =	shalt  }
0x69: {  	_ =	shalt  }
0x6a: {  	_ =	shalt  }
0x6b: {  	_ =	shalt  }
0x6c: {  	_ =	shalt  }
0x6d: {  	_ =	shalt  }
0x6e: {  	_ =	shalt  }
0x6f: {  	_ =	shalt  }
0x70: {  	_ =	shalt  }
0x71: {  	_ =	shalt  }
0x72: {  	_ =	shalt  }
0x73: {  	_ =	shalt  }
0x74: {  	_ =	shalt  }
0x75: {  	_ =	shalt  }
0x76: {  	_ =	shalt  }
0x77: {  	_ =	shalt  }
0x78: {  	_ =	shalt  }
0x79: {  	_ =	shalt  }
0x7a: {  	_ =	shalt  }
0x7b: {  	_ =	shalt  }
0x7c: {  	_ =	shalt  }
0x7d: {  	_ =	shalt  }
0x7e: {  	_ =	shalt  }
0x7f: {  	_ =	shalt  }
0x80: {  	_ =	shalt  }
0x81: {  	_ =	shalt  }
0x82: {  	_ =	shalt  }
0x83: {  	_ =	shalt  }
0x84: {  	_ =	shalt  }
0x85: {  	_ =	shalt  }
0x86: {  	_ =	shalt  }
0x87: {  	_ =	shalt  }
.Lfunc_end0:
.L_simem_size_0:
called_computation_lowered:
.L_overlay_start_0:
0x88: {  	s2 =	sld [smem:$0x3FD9]  }
0x89: {  	s3 =	sld [smem:$0x3FFE];
	_ =	sdelay $0x1  }
0x8a: {  	s1 =	srdreg.scid  }
0x8b: {  	s0 =	sand.u32 $0x1, s1  }
0x8c: {  	s17 =	sshll.u32 s0, $0xA;
	s2 =	sadd.s32 s3, s2  }
0x8d: {  	s2 =	sadd.s32 s2, s17  }
0x8e: {  	[smem:$0x3FC5] =	sst s2  }
0x8f: {  	_ = 	snop  }
0x90: {  	s2 =	sld [smem:$0x3FC9]  }
0x91: {  	s18 =	sld [smem:$0x3FC7]  }
0x92: {  	s4 =	sld [smem:$0x3FD0];
	(tm) =	ssettm $0x1  }
0x93: {  	s5 =	sld [smem:$0x3FFB];
	_ =	sdelay $0x3  }
0x94: {  	_ =	strace s5  }
0x95: {  	s5 =	sld [smem:$0x3FFC];
	_ =	sdelay $0x3  }
0x96: {  	_ =	strace s5  }
0x97: {  	s5 =	sld [smem:$0x3FFD];
	_ =	sdelay $0x3  }
0x98: {  	_ =	strace s5  }
0x99: {  	_ =	strace $0x8FFFFFFF  }
0x9a: {  	s19 =	sld [smem:$0x3FDB];
	_ =	sdelay $0x1  }
0x9b: {  	s6 =	simm.s32 $_scs_section_size  }
0x9c: {  	s7 =	simm.s32 $_size__tile_overlayer_lowered;
	s8 =	simm.s32 $_tile_overlayer_lowered  }
0x9d: {  	s22 =	simm.s32 $0x1BFF;
	s21 =	sshll.u32 s8, $0x1;
	s5 =	sadd.s32 s6, s19  }
0x9e: {  	s9 =	simm.s32 $0x0;
	s20 =	sshll.u32 s7, $0x1;
	s7 =	sadd.s32 s21, s5  }
0x9f: {  	[timem:s9], [sflag:s22] =	dma.local [hbm:s7], s20  }
0xa0: {  	_ =	swait.ge [sflag:s22], s20  }
0xa1: {  	s6 =	ssub.s32 $0x0, s20;
	[sflag:s22] =	ssyncset.done $0x0  }
0xa2: {  	[sflag:s22] =	ssyncadd.s32 s6;
	_ =	sdelay $0x1  }
0xa3: {  	s23 =	simm.s32 $0x1B8B  }
0xa4: {  	_ =	swait.ge [sflag:s23], $0x1  }
0xa5: {  	[sflag:s23] =	ssyncset.done $0x0  }
0xa6: {  	s25 =	simm.s32 $0x1B8E;
	s24 =	sld [smem:$0x3FFE];
	[sflag:s23] =	ssyncadd.s32 $0xFFFFFFFF  }
0xa7: {  	s26 =	simm.s32 $execute0_lowered;
	[smem:$0x3FD2] =	sst s25  }
0xa8: {  	s7 =	sshll.u32 s26, $0x1;
	_ =	strace $0x80000046;
	[dreg:$0x1] =	wrdreg $0xFFFFFFFF  }
0xa9: {  	s28 =	simm.s32 $_size_execute0_lowered;
	s5 =	sadd.s32 s5, s7;
	[dreg:$0x0] =	wrdreg $0x0  }
0xaa: {  	s7 =	sshll.u32 s28, $0x1;
	[dreg:$0x2] =	wrdreg s5  }
0xab: {  	[dreg:$0x3] =	wrdreg s7  }
0xac: {  	[dreg:$0x4] =	wrdreg $0xC0  }
0xad: {  	_ =	task [dreg:s9], $0x5FFFF  }
0xae: {  	[dreg:$0x1] =	wrdreg $0xFFFFFFFF  }
0xaf: {  	[dreg:$0x0] =	wrdreg $0x60  }
0xb0: {  	[dreg:$0x2] =	wrdreg s2  }
0xb1: {  	[dreg:$0x3] =	wrdreg s24  }
0xb2: {  	[dreg:$0x4] =	wrdreg s18  }
0xb3: {  	[dreg:$0x5] =	wrdreg s4  }
0xb4: {  	[dreg:$0x6] =	wrdreg $0x0  }
0xb5: {  	[dreg:$0x7] =	wrdreg $0x9  }
0xb6: {  	_ =	task.clear_ibuf [dreg:s9], $0x8FFFF;
	_ =	strace $0x90000046  }
0xb7: {  	s29 =	simm.s32 $0x9;
	_ =	strace $0x80000048  }
0xb8: {  	_ =	swait.ge [sflag:s29], $0x1  }
0xb9: {  	[sflag:s29] =	ssyncadd.s32 $0xFFFFFFFF  }
0xba: {  	_ =	strace $0x90000048  }
0xbb: {  	_ =	sfence  }
0xbc: {  	s30 =	sld [smem:$0x0];
	_ =	sdelay $0x2  }
0xbd: {  	s31 =	sshll.u32 s1, $0xD;
	s1 =	sshrl.u32 s1, $0x2  }
0xbe: {  	s3 =	sand.u32 $0x4000, s31;
	s1 =	sadd.s32 s1, s30  }
0xbf: {  	s0 =	sor.u32 s3, s0;
	s1 =	sshll.u32 s1, $0x11  }
0xc0: {  	s0 =	sor.u32 s1, s0  }
0xc1: {  	s0 =	sadd.s32 $0x8F2B, s0  }
0xc2: {  	[sflag:s0] =	ssyncadd.remote.s32 $0x1  }
0xc3: {  	_ =	sfence.sel $0xFFFF  }
0xc4: {  	[dreg:$0x0] =	wrdreg $0xFFFFFFFF;
	(pc) =	sbr.abs _section_cstart, $3  }
0xc5: {  	[dreg:$0x1] =	wrdreg $0xFFFFFFFF  }
0xc6: {  	_ =	task.clear_ibuf [dreg:s9], $0x2FFFF;
	_ =	strace $0x9FFFFFFF  }
0xc7: {  	(tm) =	ssettm $0x7FFFFFFF  }
tec
execute0_lowered:
.L_overlay_start_1:
0x0: {  	(tag) =	ssettag $0x1  }
0x1: {  	s4 =	rddreg [dreg:$0x0]  }
0x2: {  	s5 =	rddreg [dreg:$0x1]  }
0x3: {  	s7 =	rddreg [dreg:$0x2]  }
0x4: {  	s11 =	rddreg [dreg:$0x3]  }
0x5: {  	s1 =	rddreg [dreg:$0x4];
	s2 =	srdreg.scid;
	s3 =	simm.s32 $0x0  }
0x6: {  	s0 =	stileid.u32;
	s16 =	simm.s32 $0x1;
	s17 =	simm.s32 $0x1000  }
0x7: {  	s19 =	simm.s32 $0x9000;
	s20 =	simm.s32 $0xD000;
	s21 =	simm.s32 $0x2  }
0x8: {  	s22 =	simm.s32 $0x3;
	s23 =	simm.s32 $0x19200;
	s24 =	simm.s32 $0x4  }
0x9: {  	s25 =	simm.s32 $0x0;
	s6 =	sand.u32 $0x1, s2;
	[smem:$0x7FF] =	sst s3  }
0xa: {  	s10 =	sshll.u32 s0, $0xC;
	s30 =	sshll.u32 s0, $0x9;
	s31 =	sshll.u32 s0, $0x6  }
0xb: {  	s8 =	sshll.u32 s6, $0x4;
	_ =	strace $0x80000047;
	s6 =	ssub.s32 $0x2, s6  }
0xc: {  	s13 =	sadd.s32 s10, s1;
	s4 =	sadd.s32 s4, s30;
	s10 =	sadd.s32 $0xC000, s1  }
0xd: {  	s8 =	sor.u32 s0, s8;
	s29 =	sshrl.u32 s6, $0x1;
	s13 =	sshrl.u32 s13, $0x3  }
0xe: {  	s9 =	sshll.u32 s8, $0xC;
	s12 =	ssub.s32 s6, s29;
	s14 =	sshll.u32 s8, $0x6  }
0xf: {  	s8 =	sadd.s32 $0x4000, s1;
	s9 =	sadd.s32 s9, s5;
	s5 =	sor.u32 $0x1C01, s31  }
0x10: {  	v0 =	vlaneseq.u32;
	s7 =	sadd.s32 s7, s14;
	s11 =	sadd.s32 s11, s14;
	s12 =	smax.u32 s12, $0x1  }
0x11: {  	v0 =	vmul.u32 $0x40, v0;
	s14 =	simm.s32 $0x11000;
	s6 =	sadd.s32 $0x400, s9;
	s9 =	sadd.s32 $0x8000, s1  }
.LBB2_1:
0x12: {  	[spmem:s13], [sflag:s5] =	dma.local [hbm:s4], $0x200  }
0x13: {  	[tilespmem:s14], [sflag:$0x2] =	stream.linear.gather [hbm4b:s6+s3], $0x8000, $0x38;
	[tilespmem:$0x19400] =	vst v63  }
0x14: {  	s0 =	simm.s32 $0x19000  }
0x15: {  	[tilespmem:s0], [sflag:$0x3] =	stream.linear.gather [hbm4b:s7+s3], $0x200, $0x38;
	[tilespmem:$0x19400] =	vst v63  }
0x16: {  	_ =	swait.ge [sflag:s16], $0x200  }
0x17: {  	[sflag:s16] =	ssyncset.done $0x0  }
0x18: {  	[sflag:s16] =	ssyncadd.s32 $0xFFFFFE00  }
0x19: {  	[bflag:$0x0] =	sbarrier.arrive $0xFFFF  }
0x1a: {  	[tilespmem:s17], [sflag:$0x1] =	stream.linear.gather [spmem:s1], $0x4000, $0x38;
	[tilespmem:$0x19400] =	vst v63  }
0x1b: {  	s31 =	simm.s32 $0x5000  }
0x1c: {  	[tilespmem:s31], [sflag:$0x1] =	stream.linear.gather [spmem:s8], $0x4000, $0x38;
	[tilespmem:$0x19400] =	vst v63  }
0x1d: {  	_ = 	snop  }
0x1e: {  	[tilespmem:s19], [sflag:$0x1] =	stream.linear.gather [spmem:s9], $0x4000, $0x38;
	[tilespmem:$0x19400] =	vst v63  }
0x1f: {  	_ = 	snop  }
0x20: {  	[tilespmem:s20], [sflag:$0x1] =	stream.linear.gather [spmem:s10], $0x4000, $0x38;
	[tilespmem:$0x19400] =	vst v63  }
0x21: {  	_ =	swait.ge [sflag:s16], $0x4000  }
0x22: {  	[sflag:s16] =	ssyncset.done $0x0  }
0x23: {  	[sflag:s16] =	ssyncadd.s32 $0xFFFFC000  }
0x24: {  	_ =	swait.ge [sflag:s16], $0x4000  }
0x25: {  	[sflag:s16] =	ssyncset.done $0x0  }
0x26: {  	[sflag:s16] =	ssyncadd.s32 $0xFFFFC000  }
0x27: {  	_ =	swait.ge [sflag:s16], $0x4000  }
0x28: {  	[sflag:s16] =	ssyncset.done $0x0  }
0x29: {  	[sflag:s16] =	ssyncadd.s32 $0xFFFFC000  }
0x2a: {  	_ =	swait.ge [sflag:s16], $0x4000  }
0x2b: {  	[sflag:s16] =	ssyncset.done $0x0  }
0x2c: {  	[sflag:s16] =	ssyncadd.s32 $0xFFFFC000  }
0x2d: {  	_ =	swait.ge [sflag:s21], $0x8000  }
0x2e: {  	[sflag:s21] =	ssyncset.done $0x0  }
0x2f: {  	[sflag:s21] =	ssyncadd.s32 $0xFFFF8000  }
0x30: {  	_ =	swait.ge [sflag:s22], $0x200  }
0x31: {  	[sflag:s22] =	ssyncset.done $0x0  }
0x32: {  	s26 =	simm.s32 $0x0;
	[sflag:s22] =	ssyncadd.s32 $0xFFFFFE00  }
.LBB2_2:
0x33: {  	s28 =	sshll.u32 s26, $0xA  }
0x34: {  	v2 =	vor.u32 s28, v0;
	s28 =	simm.s32 $0xF  }
0x35: {  	s29 =	simm.s32 $0xC;
	v1 =	vor.u32 s28, v2  }
0x36: {  	s28 =	simm.s32 $0xD;
	v3 =	vor.u32 s29, v2  }
0x37: {  	s29 =	simm.s32 $0xE;
	v4 =	vor.u32 s28, v2  }
0x38: {  	s28 =	simm.s32 $0x8;
	v5 =	vor.u32 s29, v2  }
0x39: {  	s29 =	simm.s32 $0x9;
	v7 =	vor.u32 s28, v2  }
0x3a: {  	s28 =	simm.s32 $0xA;
	v8 =	vor.u32 s29, v2;
	v1 =	vld.idx.msk [tilespmem:v1+s14+$0x0], $0xffff  }
0x3b: {  	s29 =	simm.s32 $0x4;
	v9 =	vor.u32 s28, v2;
	v3 =	vld.idx.msk [tilespmem:v3+s14+$0x0], $0xffff  }
0x3c: {  	s28 =	simm.s32 $0xB;
	v11 =	vor.u32 s29, v2;
	v4 =	vld.idx.msk [tilespmem:v4+s14+$0x0], $0xffff  }
0x3d: {  	v10 =	vor.u32 s28, v2;
	s28 =	simm.s32 $0x5;
	v6 =	vld.idx.msk [tilespmem:v5+s14+$0x0], $0xffff  }
0x3e: {  	v5 =	vor.u32 s28, v2;
	s28 =	simm.s32 $0x6;
	v7 =	vld.idx.msk [tilespmem:v7+s14+$0x0], $0xffff  }
0x3f: {  	v12 =	vor.u32 s28, v2;
	s28 =	simm.s32 $0x7;
	v8 =	vld.idx.msk [tilespmem:v8+s14+$0x0], $0xffff  }
0x40: {  	s29 =	simm.s32 $0x0;
	v13 =	vor.u32 s28, v2;
	v14 =	vld.idx.msk [tilespmem:v9+s14+$0x0], $0xffff  }
0x41: {  	v9 =	vor.u32 s29, v2;
	s28 =	simm.s32 $0x1;
	v19 =	vld.idx.msk [tilespmem:v11+s14+$0x0], $0xffff  }
0x42: {  	v10 =	vld.idx.msk [tilespmem:v10+s14+$0x0], $0xffff;
	v16 =	vor.u32 s28, v2  }
0x43: {  	s28 =	simm.s32 $0x2;
	v5 =	vld.idx.msk [tilespmem:v5+s14+$0x0], $0xffff  }
0x44: {  	v11 =	vor.u32 s28, v2;
	v20 =	vld.idx.msk [tilespmem:v12+s14+$0x0], $0xffff  }
0x45: {  	v15 =	vld.idx.msk [tilespmem:v13+s14+$0x0], $0xffff  }
0x46: {  	s28 =	simm.s32 $0x3;
	v9 =	vld.idx.msk [tilespmem:v9+s14+$0x0], $0xffff  }
0x47: {  	v17 =	vor.u32 s28, v2;
	v24 =	vld.idx.msk [tilespmem:v16+s14+$0x0], $0xffff  }
0x48: {  	v13 =	vld.idx.msk [tilespmem:v4+s17+$0x0], $0xffff  }
0x49: {  	v22 =	vld.idx.msk [tilespmem:v11+s14+$0x0], $0xffff  }
0x4a: {  	v21 =	vld.idx.msk [tilespmem:v7+s17+$0x0], $0xffff  }
0x4b: {  	v16 =	vld.idx.msk [tilespmem:v8+s17+$0x0], $0xffff  }
0x4c: {  	v18 =	vld.idx.msk [tilespmem:v17+s14+$0x0], $0xffff  }
0x4d: {  	v17 =	vld.idx.msk [tilespmem:v3+s17+$0x0], $0xffff  }
0x4e: {  	v12 =	vimm.f32 $-Inf;
	v4 =	vimm.f32 $-Inf;
	v23 =	vld.idx.msk [tilespmem:v19+s17+$0x0], $0xffff  }
0x4f: {  	v11 =	vimm.f32 $+Inf;
	v7 =	vimm.f32 $-Inf;
	v8 =	vimm.f32 $+Inf;
	v25 =	vld.idx.msk [tilespmem:v9+s17+$0x0], $0xffff  }
0x50: {  	s29 =	simm.s32 $0x1F;
	s28 =	simm.s32 $0x0;
	v3 =	vimm.f32 $+Inf;
	v19 =	vld.idx.msk [tilespmem:v5+s17+$0x0], $0xffff;
	v5 =	vimm.f32 $-Inf;
	v9 =	vimm.f32 $+Inf  }
.LBB2_3:
0x51: {  	s30 =	sadd.s32 $0xFFFFFFFD, s29;
	s31 =	sadd.s32 $0xFFFFFFFE, s29;
	s0 =	sadd.s32 $0xFFFFFFFF, s29;
	v26 =	vor.u32 s29, v2;
	v24 =	vld.idx.msk [tilespmem:v24+s17+$0x0], $0xffff  }
0x52: {  	s2 =	sadd.s32 $0xFFFFFFF9, s29;
	s15 =	sadd.s32 $0xFFFFFFFA, s29;
	s18 =	sadd.s32 $0xFFFFFFFB, s29;
	v27 =	vor.u32 s30, v2;
	v28 =	vor.u32 s31, v2;
	v29 =	vor.u32 s0, v2;
	v22 =	vld.idx.msk [tilespmem:v22+s17+$0x0], $0xffff  }
0x53: {  	v30 =	vor.u32 s2, v2;
	v31 =	vor.u32 s15, v2;
	v32 =	vor.u32 s18, v2;
	s0 =	sadd.s32 $0xFFFFFFFC, s29;
	v20 =	vld.idx.msk [tilespmem:v20+s17+$0x0], $0xffff  }
0x54: {  	s2 =	sadd.s32 $0xFFFFFFF5, s29;
	v33 =	vor.u32 s0, v2;
	v11 =	vmin.f32 v11, v25;
	v12 =	vmax.f32 v12, v25;
	v14 =	vld.idx.msk [tilespmem:v14+s17+$0x0], $0xffff  }
0x55: {  	v25 =	vor.u32 s2, v2;
	s0 =	sadd.s32 $0xFFFFFFF6, s29;
	v11 =	vmin.f32 v11, v23;
	v12 =	vmax.f32 v12, v23;
	v23 =	vld.idx.msk [tilespmem:v6+s17+$0x0], $0xffff  }
0x56: {  	v34 =	vor.u32 s0, v2;
	s0 =	sadd.s32 $0xFFFFFFF7, s29;
	v11 =	vmin.f32 v11, v21;
	v12 =	vmax.f32 v12, v21;
	v6 =	vld.idx.msk [tilespmem:v18+s17+$0x0], $0xffff  }
0x57: {  	v18 =	vor.u32 s0, v2;
	v11 =	vmin.f32 v11, v17;
	v12 =	vmax.f32 v12, v17;
	v15 =	vld.idx.msk [tilespmem:v15+s17+$0x0], $0xffff  }
0x58: {  	v9 =	vmin.f32 v9, v24;
	v7 =	vmax.f32 v7, v24;
	v8 =	vmin.f32 v8, v22;
	v10 =	vld.idx.msk [tilespmem:v10+s17+$0x0], $0xffff  }
0x59: {  	v9 =	vmin.f32 v9, v19;
	v7 =	vmax.f32 v7, v19;
	v8 =	vmin.f32 v8, v20;
	v17 =	vld.idx.msk [tilespmem:v1+s17+$0x0], $0xffff  }
0x5a: {  	v9 =	vmin.f32 v9, v16;
	v7 =	vmax.f32 v7, v16;
	v8 =	vmin.f32 v8, v14;
	v1 =	vld.idx.msk [tilespmem:v26+s14+$0x0], $0xffff  }
0x5b: {  	v9 =	vmin.f32 v9, v13;
	v7 =	vmax.f32 v7, v13;
	v8 =	vmin.f32 v8, v23;
	v16 =	vld.idx.msk [tilespmem:v27+s14+$0x0], $0xffff  }
0x5c: {  	v5 =	vmax.f32 v5, v22;
	v3 =	vmin.f32 v3, v6;
	v4 =	vmax.f32 v4, v6;
	v13 =	vld.idx.msk [tilespmem:v28+s14+$0x0], $0xffff  }
0x5d: {  	v5 =	vmax.f32 v5, v20;
	v3 =	vmin.f32 v3, v15;
	v4 =	vmax.f32 v4, v15;
	v6 =	vld.idx.msk [tilespmem:v29+s14+$0x0], $0xffff  }
0x5e: {  	v5 =	vmax.f32 v5, v14;
	v3 =	vmin.f32 v3, v10;
	v4 =	vmax.f32 v4, v10;
	v19 =	vld.idx.msk [tilespmem:v30+s14+$0x0], $0xffff  }
0x5f: {  	s0 =	sadd.s32 $0xFFFFFFF8, s29;
	v5 =	vmax.f32 v5, v23;
	v3 =	vmin.f32 v3, v17;
	v4 =	vmax.f32 v4, v17;
	v26 =	vld.idx.msk [tilespmem:v31+s14+$0x0], $0xffff  }
0x60: {  	s2 =	sadd.s32 $0xFFFFFFF1, s29;
	v15 =	vor.u32 s0, v2;
	v14 =	vld.idx.msk [tilespmem:v32+s14+$0x0], $0xffff  }
0x61: {  	s0 =	sadd.s32 $0xFFFFFFF2, s29;
	v17 =	vor.u32 s2, v2;
	v10 =	vld.idx.msk [tilespmem:v33+s14+$0x0], $0xffff  }
0x62: {  	v21 =	vor.u32 s0, v2;
	s0 =	sadd.s32 $0xFFFFFFF3, s29;
	v23 =	vld.idx.msk [tilespmem:v25+s14+$0x0], $0xffff  }
0x63: {  	v22 =	vor.u32 s0, v2;
	s0 =	sadd.s32 $0xFFFFFFF4, s29;
	v27 =	vld.idx.msk [tilespmem:v34+s14+$0x0], $0xffff  }
0x64: {  	v25 =	vor.u32 s0, v2;
	v20 =	vld.idx.msk [tilespmem:v18+s14+$0x0], $0xffff  }
0x65: {  	v15 =	vld.idx.msk [tilespmem:v15+s14+$0x0], $0xffff  }
0x66: {  	v28 =	vld.idx.msk [tilespmem:v17+s14+$0x0], $0xffff  }
0x67: {  	v24 =	vld.idx.msk [tilespmem:v21+s14+$0x0], $0xffff  }
0x68: {  	s28 =	sadd.s32 $0x4, s28;
	v22 =	vld.idx.msk [tilespmem:v22+s14+$0x0], $0xffff  }
0x69: {  	p0 =	slt.u32 s28, $0xC;
	v18 =	vld.idx.msk [tilespmem:v25+s14+$0x0], $0xffff  }
0x6a: {  	v17 =	vld.idx.msk [tilespmem:v16+s17+$0x0], $0xffff  }
0x6b: {  	v13 =	vld.idx.msk [tilespmem:v13+s17+$0x0], $0xffff  }
.Ltmp0:
0x6c: {  	v21 =	vld.idx.msk [tilespmem:v19+s17+$0x0], $0xffff;
	(pc) =	sbr.rel @p0 .LBB2_3-.Ltmp0, $4  }
0x6d: {  	v16 =	vld.idx.msk [tilespmem:v26+s17+$0x0], $0xffff  }
0x6e: {  	v25 =	vld.idx.msk [tilespmem:v28+s17+$0x0], $0xffff  }
0x6f: {  	v23 =	vld.idx.msk [tilespmem:v23+s17+$0x0], $0xffff  }
0x70: {  	s29 =	sadd.s32 $0x10, s29;
	v19 =	vld.idx.msk [tilespmem:v27+s17+$0x0], $0xffff  }
0x71: {  	_ =	sdelay $0x3  }
0x72: {  	v2 =	vld.idx.msk [tilespmem:v24+s17+$0x0], $0xffff  }
0x73: {  	v22 =	vld.idx.msk [tilespmem:v22+s17+$0x0], $0xffff  }
0x74: {  	v18 =	vld.idx.msk [tilespmem:v18+s17+$0x0], $0xffff;
	v11 =	vmin.f32 v11, v25;
	v12 =	vmax.f32 v12, v25  }
0x75: {  	v20 =	vld.idx.msk [tilespmem:v20+s17+$0x0], $0xffff;
	v11 =	vmin.f32 v11, v23;
	v12 =	vmax.f32 v12, v23  }
0x76: {  	v15 =	vld.idx.msk [tilespmem:v15+s17+$0x0], $0xffff;
	v11 =	vmin.f32 v11, v21;
	v12 =	vmax.f32 v12, v21  }
0x77: {  	v14 =	vld.idx.msk [tilespmem:v14+s17+$0x0], $0xffff;
	v11 =	vmin.f32 v11, v17;
	v12 =	vmax.f32 v12, v17;
	v9 =	vmin.f32 v9, v2  }
0x78: {  	v61 =	vld.idx.msk [tilespmem:v10+s17+$0x0], $0xffff;
	v2 =	vmax.f32 v7, v2;
	v59 =	vmin.f32 v8, v22;
	v5 =	vmax.f32 v5, v22  }
0x79: {  	v6 =	vld.idx.msk [tilespmem:v6+s17+$0x0], $0xffff;
	v3 =	vmin.f32 v3, v18;
	v4 =	vmax.f32 v4, v18;
	v60 =	vmin.f32 v9, v19  }
0x7a: {  	v1 =	vld.idx.msk [tilespmem:v1+s17+$0x0], $0xffff;
	v2 =	vmax.f32 v2, v19;
	v7 =	vmin.f32 v59, v20;
	v5 =	vmax.f32 v5, v20  }
0x7b: {  	s0 =	sshll.u32 s26, $0x4;
	v3 =	vmin.f32 v3, v15;
	v4 =	vmax.f32 v4, v15;
	v8 =	vmin.f32 v60, v16  }
0x7c: {  	v62 =	vld [tilespmem:s0+$0x19000];
	v2 =	vmax.f32 v2, v16;
	v7 =	vmin.f32 v7, v14;
	v5 =	vmax.f32 v5, v14  }
0x7d: {  	s26 =	sadd.s32 $0x1, s26;
	v3 =	vmin.f32 v3, v61;
	v4 =	vmax.f32 v4, v61;
	v8 =	vmin.f32 v8, v13  }
0x7e: {  	p0 =	sne.s32 s26, $0x20;
	v2 =	vmax.f32 v2, v13;
	v7 =	vmin.f32 v7, v6;
	v5 =	vmax.f32 v5, v6  }
.Ltmp1:
0x7f: {  	v3 =	vmin.f32 v3, v1;
	v1 =	vmax.f32 v4, v1;
	v63 =	vmin.f32 v11, v8;
	(pc) =	sbr.rel @p0 .LBB2_2-.Ltmp1, $4  }
0x80: {  	v3 =	vmin.f32 v7, v3;
	v2 =	vmax.f32 v12, v2;
	v1 =	vmax.f32 v5, v1  }
0x81: {  	vm0 =	veq.s32 v62, $0x0;
	v3 =	vmin.f32 v63, v3;
	v1 =	vmax.f32 v2, v1  }
0x82: {  	v1 =	vsel vm0, v3, v1  }
0x83: {  	[tilespmem:s0+$0x19200] =	vst v1  }
0x84: {  	s25 =	sadd.s32 $0x1, s25  }
0x85: {  	p0 =	sne.s32 s25, s12  }
.Ltmp2:
0x86: {  	_ = 	snop;
	(pc) =	sbr.rel @p0 .LBB2_1-.Ltmp2, $4  }
0x87: {  	[hbm4b:s11+s3] =	stream.linear.scatter [tilespmem:s23], [sflag:$0x4], $0x200, $0x38;
	[tilespmem:$0x19400] =	vst v63  }
0x88: {  	_ =	swait.ge [sflag:s24], $0x200  }
0x89: {  	[sflag:s24] =	ssyncset.done $0x0  }
0x8a: {  	[sflag:s24] =	ssyncadd.s32 $0xFFFFFE00  }
0x8b: {  	_ =	sfence.sel $0x180000  }
0x8c: {  	[bflag:$0x0] =	sbarrier.arrive $0xFFFF  }
0x8d: {  	_ =	strace $0x90000047  }
0x8e: {  	s0 =	stileid.u32;
	[bflag:$0x2] =	sbarrier.arrive $0xFFFF  }
0x8f: {  	p0 =	sne.s32 s0, $0x0;
	s0 =	rddreg [dreg:$0x5]  }
0x90: {  	s0 =	sadd.s32 @!p0 $0x100000, s0  }
0x91: {  	[sflag:s0] =	ssyncadd.tile.s32 @!p0 $0x1;
	_ =	shalt  }
.Lfunc_end2:
_tile_overlayer_lowered:
.L_overlay_start_2:
0x92: {  	(tag) =	ssettag $0x2  }
0x93: {  	s0 =	rddreg [dreg:$0x0];
	s2 =	stileid.u32  }
0x94: {  	s1 =	rddreg [dreg:$0x1];
	p0 =	sne.s32 s2, $0x0  }
0x95: {  	s3 =	rddreg [dreg:$0x2];
	[bflag:$0x3] =	sbarrier.arrive $0xFFFF;
	s2 =	simm.s32 @!p0 $0x1C04  }
0x96: {  	[timem:s3], [sflag:s2] =	dma.local @!p0 [hbm:s0], s1  }
0x97: {  	s0 =	simm.s32 @!p0 $0x4  }
0x98: {  	_ =	swait.ge @!p0 [sflag:s0], s1  }
0x99: {  	s1 =	ssub.s32 @!p0 $0x0, s1;
	[sflag:s0] =	ssyncset.done @!p0 $0x0  }
0x9a: {  	[sflag:s0] =	ssyncadd.s32 @!p0 s1  }
0x9b: {  	[bflag:$0x3] =	sbarrier.arrive $0xFFFF  }
0x9c: {  	_ =	shalt  }

</sc_bundles>
